<compile_context>
chip_gen: v7x
topology: tpu7x:2x2x1
jax: 0.10.2.dev20260603
libtpu: 0.0.44.dev20260713+nightly
codegen_flags: <defaults>
</compile_context>

<pallas_src>
import functools

import jax
import jax.numpy as jnp
from jax import lax
from jax.experimental import pallas as pl
from jax.experimental.pallas import tpu as pltpu
from jax.experimental.pallas import tpu_sc as plsc

_LANES = 16


def _sc_phase1(K, V, tflat_hbm, dflat_hbm, ids_hbm, u_hbm, out_hbm,
               ids_v, u_v, idx_t_v, idx_d_v, tvals_v, dvals_v, out_v,
               sem_t, sem_d):
    c = lax.axis_index("c")
    s = lax.axis_index("s")
    b = s * 2 + c

    pltpu.sync_copy(ids_hbm.at[b], ids_v)
    pltpu.sync_copy(u_hbm.at[b], u_v)

    iota = lax.iota(jnp.int32, _LANES)
    klane = jnp.minimum(iota, K - 1)
    ids = ids_v[...]
    idx_t_v[...] = (b * (K + 1) + klane) * V + ids
    idx_d_v[...] = (b * K + klane) * V + ids
    cp_t = pltpu.async_copy(tflat_hbm.at[idx_t_v], tvals_v, sem_t)
    cp_d = pltpu.async_copy(dflat_hbm.at[idx_d_v], dvals_v, sem_d)
    cp_t.wait()
    cp_d.wait()

    scores = tvals_v[...] / dvals_v[...]
    rejected = (scores < u_v[...]) | (iota >= K)
    rej = jnp.where(rejected, 1, 0)
    ridx = K
    for j in range(K - 1, -1, -1):
        ridx = jnp.where(rej[j] == 1, j, ridx)

    outrow = jnp.where(iota < ridx, ids, -1)
    outrow = jnp.where(iota == _LANES - 1, ridx, outrow)
    out_v[...] = outrow
    pltpu.sync_copy(out_v, out_hbm.at[b])


def _tc_phase2(K, W, ridx_ref, t_ref, d_ref, g_ref, base_ref, o_ref):
    b = pl.program_id(0)
    r = ridx_ref[b]
    t = t_ref[0, 0]
    d = d_ref[0, 0]
    g = g_ref[0]
    flag = jnp.where(r < K, 1.0, 0.0).astype(jnp.float32)
    raw = jnp.maximum(t - flag * d, 0.0)
    y = jnp.log(jnp.maximum(raw, 1e-20)) + g
    m = jnp.max(y)
    fidx = (lax.broadcasted_iota(jnp.int32, y.shape, 0) * W
            + lax.broadcasted_iota(jnp.int32, y.shape, 1))
    tok = jnp.min(jnp.where(y == m, fidx, jnp.int32(2**31 - 1)))
    j = lax.broadcasted_iota(jnp.int32, (1, _LANES), 1)
    o_ref[0] = jnp.where(j == r, tok, base_ref[0])


def kernel(target_probs, draft_probs, draft_token_ids):
    B, K, V = draft_probs.shape
    dtype = jnp.float32

    rkey = jax.random.key(42)
    u = jax.random.uniform(rkey, (B, K), dtype=dtype)
    skey = jax.random.fold_in(rkey, 1)
    g = jax.random.gumbel(skey, (B, V), dtype=dtype)

    pad = ((0, 0), (0, _LANES - K))
    ids_pad = jnp.pad(draft_token_ids, pad)
    u_pad = jnp.pad(u, pad)
    tflat = target_probs.reshape(-1)
    dflat = draft_probs.reshape(-1)

    mesh = plsc.VectorSubcoreMesh(core_axis_name="c", subcore_axis_name="s",
                                  num_cores=2, num_subcores=16)
    phase1 = pl.kernel(
        functools.partial(_sc_phase1, K, V),
        out_type=jax.ShapeDtypeStruct((B, _LANES), jnp.int32),
        mesh=mesh,
        scratch_types=[
            pltpu.VMEM((_LANES,), jnp.int32),
            pltpu.VMEM((_LANES,), dtype),
            pltpu.VMEM((_LANES,), jnp.int32),
            pltpu.VMEM((_LANES,), jnp.int32),
            pltpu.VMEM((_LANES,), dtype),
            pltpu.VMEM((_LANES,), dtype),
            pltpu.VMEM((_LANES,), jnp.int32),
            pltpu.SemaphoreType.DMA,
            pltpu.SemaphoreType.DMA,
        ],
    )
    out2 = phase1(tflat, dflat, ids_pad, u_pad)
    ridx = out2[:, _LANES - 1]

    S = 8
    W = V // S
    t4 = target_probs.reshape(B, K + 1, S, W)
    d4 = draft_probs.reshape(B, K, S, W)
    g3 = g.reshape(B, S, W)
    base3 = out2.reshape(B, 1, _LANES)

    grid_spec = pltpu.PrefetchScalarGridSpec(
        num_scalar_prefetch=1,
        grid=(B,),
        in_specs=[
            pl.BlockSpec((1, 1, S, W), lambda b, rr: (b, rr[b], 0, 0)),
            pl.BlockSpec((1, 1, S, W),
                         lambda b, rr: (b, jnp.minimum(rr[b], K - 1), 0, 0)),
            pl.BlockSpec((1, S, W), lambda b, rr: (b, 0, 0)),
            pl.BlockSpec((1, 1, _LANES), lambda b, rr: (b, 0, 0)),
        ],
        out_specs=pl.BlockSpec((1, 1, _LANES), lambda b, rr: (b, 0, 0)),
    )
    res = pl.pallas_call(
        functools.partial(_tc_phase2, K, W),
        grid_spec=grid_spec,
        out_shape=jax.ShapeDtypeStruct((B, 1, _LANES), jnp.int32),
    )(ridx, t4, d4, g3, base3)

    return res[:, 0, :K + 1]

# --- scband reference (transcript-rebuilt; emitter-appended) ---
"""Pipeline reference for scband-rejection-sampler-1322849927624 (READ-ONLY COPY).

The authoritative reference and input builder live on the scoring server;
editing this copy changes nothing except your own understanding.
"""

import jax, jax.numpy as jnp
import numpy as np

B, K, V = 32, 8, 100000

def setup_inputs(seed: int = 0):
    key = jax.random.key(seed)
    k1, k2, k3 = jax.random.split(key, 3)
    target_probs = jax.random.uniform(k1, (B, K + 1, V), dtype=jnp.float32)
    target_probs = target_probs / target_probs.sum(-1, keepdims=True)
    draft_probs = jax.random.uniform(k2, (B, K, V), dtype=jnp.float32)
    draft_probs = draft_probs / draft_probs.sum(-1, keepdims=True)
    draft_token_ids = jax.random.randint(k3, (B, K), 0, V, dtype=jnp.int32)
    return {"target_probs": target_probs, "draft_probs": draft_probs, "draft_token_ids": draft_token_ids}

def reference(target_probs, draft_probs, draft_token_ids):
    b, k, v = draft_probs.shape
    target_probs_without_bonus = target_probs[:, :-1]
    bidx = jnp.arange(b)[:, None]
    pidx = jnp.arange(k)[None, :]
    draft_token_probs = draft_probs[bidx, pidx, draft_token_ids]
    target_token_probs = target_probs_without_bonus[bidx, pidx, draft_token_ids]
    scores = target_token_probs / draft_token_probs
    rkey = jax.random.key(42)
    random_uniform = jax.random.uniform(rkey, (b, k), dtype=scores.dtype)
    rejected = scores < random_uniform
    rejected_mask = jnp.cumsum(rejected.astype(jnp.int32), axis=-1) > 0
    accepted_mask = ~rejected_mask
    rejected_mask_full = jnp.concatenate([rejected_mask, jnp.ones((b, 1), dtype=bool)], axis=-1)
    reject_idx = jnp.argmax(rejected_mask_full.astype(jnp.float32), axis=-1)
    adjusted_probs = jnp.clip(target_probs_without_bonus - draft_probs, 0.0, None)
    adjusted_probs = adjusted_probs / jnp.clip(adjusted_probs.sum(-1, keepdims=True), 1e-5, None)
    adjusted_probs = jnp.concatenate([adjusted_probs, target_probs[:, -1:]], axis=1)
    adjusted_sel = adjusted_probs[jnp.arange(b), reject_idx]
    skey = jax.random.fold_in(rkey, 1)
    logits = jnp.log(jnp.clip(adjusted_sel, 1e-20, None))
    adjusted_token_ids = jax.random.categorical(skey, logits, axis=-1).astype(draft_token_ids.dtype)
    out = jnp.full((b, k + 1), -1, dtype=draft_token_ids.dtype)
    out = out.at[:, :k].set(jnp.where(accepted_mask, draft_token_ids, -1))
    out = out.at[jnp.arange(b), reject_idx].set(adjusted_token_ids)
    return out

if __name__ == "__main__":
    import jax
    _d = setup_inputs()
    print(jax.jit(kernel)(*tuple(_d.values())))

</pallas_src>

<mosaic_0001>
#map = affine_map<(d0, d1) -> (0)>
#map1 = affine_map<(d0, d1) -> (0, 0)>
module attributes {stable_mosaic.version = 14 : i64} {
  func.func @_sc_phase1(%arg0: i32, %arg1: i32, %arg2: memref<28800000xf32, #tpu.memory_space<hbm>>, %arg3: memref<25600000xf32, #tpu.memory_space<hbm>>, %arg4: memref<32x16xi32, #tpu.memory_space<hbm>>, %arg5: memref<32x16xf32, #tpu.memory_space<hbm>>, %arg6: memref<32x16xi32, #tpu.memory_space<hbm>>, %arg7: memref<16xi32, #tpu.memory_space<vmem>>, %arg8: memref<16xf32, #tpu.memory_space<vmem>>, %arg9: memref<16xi32, #tpu.memory_space<vmem>>, %arg10: memref<16xi32, #tpu.memory_space<vmem>>, %arg11: memref<16xf32, #tpu.memory_space<vmem>>, %arg12: memref<16xf32, #tpu.memory_space<vmem>>, %arg13: memref<16xi32, #tpu.memory_space<vmem>>, %arg14: memref<!tpu.dma_semaphore, #tpu.memory_space<semaphore_mem>>, %arg15: memref<!tpu.dma_semaphore, #tpu.memory_space<semaphore_mem>>) attributes {dimension_semantics = [#tpu.dimension_semantics<core_parallel>, #tpu.dimension_semantics<subcore_parallel>], iteration_bounds = array<i64: 2, 16>, scalar_prefetch = 0 : i64, scratch_operands = 9 : i64, tpu.core_type = #tpu.core_type<sc_vector_subcore>, window_params = [{transform_indices = #map}, {transform_indices = #map}, {transform_indices = #map1}, {transform_indices = #map1}, {transform_indices = #map1}]} {
    %mul3A = arith.constant 2 : i32
    %mul3A_0 = arith.muli %arg1, %mul3A : i32
    %add3A = arith.addi %mul3A_0, %arg0 : i32
    "tpu.region"() ({
      %run_scoped3A = tpu.sem_alloc : memref<!tpu.dma_semaphore, #tpu.memory_space<semaphore_mem>>
      %dma_start3A_107 = arith.constant 0 : i32
      %dma_start3A_108 = tpu.memref_slice %arg4[%add3A, %dma_start3A_107] : memref<32x16xi32, #tpu.memory_space<hbm>> -> memref<1x16xi32, #tpu.memory_space<hbm>>
      %dma_start3A_109 = tpu.memref_squeeze %dma_start3A_108 : memref<1x16xi32, #tpu.memory_space<hbm>> -> memref<16xi32, #tpu.memory_space<hbm>>
      %dma_start3A_110 = arith.constant 0 : i32
      %dma_start3A_111 = tpu.memref_slice %arg4[%add3A, %dma_start3A_110] : memref<32x16xi32, #tpu.memory_space<hbm>> -> memref<1x16xi32, #tpu.memory_space<hbm>>
      %dma_start3A_112 = tpu.memref_squeeze %dma_start3A_111 : memref<1x16xi32, #tpu.memory_space<hbm>> -> memref<16xi32, #tpu.memory_space<hbm>>
      tpu.enqueue_dma source(%dma_start3A_112 : memref<16xi32, #tpu.memory_space<hbm>>) target(%arg7 : memref<16xi32, #tpu.memory_space<vmem>>) target_semaphore(%run_scoped3A : memref<!tpu.dma_semaphore, #tpu.memory_space<semaphore_mem>>)
      %dma_wait3A_113 = arith.constant 0 : i32
      %dma_wait3A_114 = tpu.memref_slice %arg4[%add3A, %dma_wait3A_113] : memref<32x16xi32, #tpu.memory_space<hbm>> -> memref<1x16xi32, #tpu.memory_space<hbm>>
      %dma_wait3A_115 = tpu.memref_squeeze %dma_wait3A_114 : memref<1x16xi32, #tpu.memory_space<hbm>> -> memref<16xi32, #tpu.memory_space<hbm>>
      %dma_wait3A_116 = arith.constant 0 : i32
      %dma_wait3A_117 = tpu.memref_slice %arg4[%add3A, %dma_wait3A_116] : memref<32x16xi32, #tpu.memory_space<hbm>> -> memref<1x16xi32, #tpu.memory_space<hbm>>
      %dma_wait3A_118 = tpu.memref_squeeze %dma_wait3A_117 : memref<1x16xi32, #tpu.memory_space<hbm>> -> memref<16xi32, #tpu.memory_space<hbm>>
      tpu.wait_dma2 semaphore(%run_scoped3A : memref<!tpu.dma_semaphore, #tpu.memory_space<semaphore_mem>>) src(%dma_wait3A_118 : memref<16xi32, #tpu.memory_space<hbm>>) dst(%arg7 : memref<16xi32, #tpu.memory_space<vmem>>)
      tpu.yield
    }) : () -> ()
    "tpu.region"() ({
      %run_scoped3A = tpu.sem_alloc : memref<!tpu.dma_semaphore, #tpu.memory_space<semaphore_mem>>
      %dma_start3A_107 = arith.constant 0 : i32
      %dma_start3A_108 = tpu.memref_slice %arg5[%add3A, %dma_start3A_107] : memref<32x16xf32, #tpu.memory_space<hbm>> -> memref<1x16xf32, #tpu.memory_space<hbm>>
      %dma_start3A_109 = tpu.memref_squeeze %dma_start3A_108 : memref<1x16xf32, #tpu.memory_space<hbm>> -> memref<16xf32, #tpu.memory_space<hbm>>
      %dma_start3A_110 = arith.constant 0 : i32
      %dma_start3A_111 = tpu.memref_slice %arg5[%add3A, %dma_start3A_110] : memref<32x16xf32, #tpu.memory_space<hbm>> -> memref<1x16xf32, #tpu.memory_space<hbm>>
      %dma_start3A_112 = tpu.memref_squeeze %dma_start3A_111 : memref<1x16xf32, #tpu.memory_space<hbm>> -> memref<16xf32, #tpu.memory_space<hbm>>
      tpu.enqueue_dma source(%dma_start3A_112 : memref<16xf32, #tpu.memory_space<hbm>>) target(%arg8 : memref<16xf32, #tpu.memory_space<vmem>>) target_semaphore(%run_scoped3A : memref<!tpu.dma_semaphore, #tpu.memory_space<semaphore_mem>>)
      %dma_wait3A_113 = arith.constant 0 : i32
      %dma_wait3A_114 = tpu.memref_slice %arg5[%add3A, %dma_wait3A_113] : memref<32x16xf32, #tpu.memory_space<hbm>> -> memref<1x16xf32, #tpu.memory_space<hbm>>
      %dma_wait3A_115 = tpu.memref_squeeze %dma_wait3A_114 : memref<1x16xf32, #tpu.memory_space<hbm>> -> memref<16xf32, #tpu.memory_space<hbm>>
      %dma_wait3A_116 = arith.constant 0 : i32
      %dma_wait3A_117 = tpu.memref_slice %arg5[%add3A, %dma_wait3A_116] : memref<32x16xf32, #tpu.memory_space<hbm>> -> memref<1x16xf32, #tpu.memory_space<hbm>>
      %dma_wait3A_118 = tpu.memref_squeeze %dma_wait3A_117 : memref<1x16xf32, #tpu.memory_space<hbm>> -> memref<16xf32, #tpu.memory_space<hbm>>
      tpu.wait_dma2 semaphore(%run_scoped3A : memref<!tpu.dma_semaphore, #tpu.memory_space<semaphore_mem>>) src(%dma_wait3A_118 : memref<16xf32, #tpu.memory_space<hbm>>) dst(%arg8 : memref<16xf32, #tpu.memory_space<vmem>>)
      tpu.yield
    }) : () -> ()
    %iota3A = tpu.iota {dimensions = array<i32: 0>} : vector<16xi32>
    %min3A = arith.constant 7 : i32
    %min3A_1 = vector.broadcast %min3A : i32 to vector<16xi32>
    %min3A_2 = arith.minsi %iota3A, %min3A_1 : vector<16xi32>
    %get3A = arith.constant 0 : index
    %get3A_3 = tpu.vector_load %arg7[%get3A] {strides = array<i32>} : memref<16xi32, #tpu.memory_space<vmem>>, vector<16xi32>,
    %get3A_4 = vector.shape_cast %get3A_3 : vector<16xi32> to vector<16xi32>
    %mul3A_5 = arith.constant 9 : i32
    %mul3A_6 = arith.muli %add3A, %mul3A_5 : i32
    %add3A_7 = vector.broadcast %mul3A_6 : i32 to vector<16xi32>
    %add3A_8 = arith.addi %add3A_7, %min3A_2 : vector<16xi32>
    %mul3A_9 = arith.constant 100000 : i32
    %mul3A_10 = vector.broadcast %mul3A_9 : i32 to vector<16xi32>
    %mul3A_11 = arith.muli %add3A_8, %mul3A_10 : vector<16xi32>
    %add3A_12 = arith.addi %mul3A_11, %get3A_4 : vector<16xi32>
    %swap3A = arith.constant 0 : index
    %swap3A_13 = tpu.vector_load %arg9[%swap3A] {strides = array<i32>} : memref<16xi32, #tpu.memory_space<vmem>>, vector<16xi32>,
    %swap3A_14 = vector.shape_cast %swap3A_13 : vector<16xi32> to vector<16xi32>
    %swap3A_15 = vector.shape_cast %add3A_12 : vector<16xi32> to vector<16xi32>
    tpu.vector_store %arg9[%swap3A], %swap3A_15 {strides = array<i32>} : memref<16xi32, #tpu.memory_space<vmem>>, vector<16xi32>,
    %mul3A_16 = arith.constant 8 : i32
    %mul3A_17 = arith.muli %add3A, %mul3A_16 : i32
    %add3A_18 = vector.broadcast %mul3A_17 : i32 to vector<16xi32>
    %add3A_19 = arith.addi %add3A_18, %min3A_2 : vector<16xi32>
    %mul3A_20 = arith.constant 100000 : i32
    %mul3A_21 = vector.broadcast %mul3A_20 : i32 to vector<16xi32>
    %mul3A_22 = arith.muli %add3A_19, %mul3A_21 : vector<16xi32>
    %add3A_23 = arith.addi %mul3A_22, %get3A_4 : vector<16xi32>
    %swap3A_24 = arith.constant 0 : index
    %swap3A_25 = tpu.vector_load %arg10[%swap3A_24] {strides = array<i32>} : memref<16xi32, #tpu.memory_space<vmem>>, vector<16xi32>,
    %swap3A_26 = vector.shape_cast %swap3A_25 : vector<16xi32> to vector<16xi32>
    %swap3A_27 = vector.shape_cast %add3A_23 : vector<16xi32> to vector<16xi32>
    tpu.vector_store %arg10[%swap3A_24], %swap3A_27 {strides = array<i32>} : memref<16xi32, #tpu.memory_space<vmem>>, vector<16xi32>,
    %dma_start3A = arith.constant 0 : i32
    %dma_start3A_28 = tpu.memref_slice %arg2[%dma_start3A] : memref<28800000xf32, #tpu.memory_space<hbm>> -> memref<28800000xf32, #tpu.memory_space<hbm>>
    tpu.enqueue_indirect_dma source(%dma_start3A_28 : memref<28800000xf32, #tpu.memory_space<hbm>>) target(%arg11 : memref<16xf32, #tpu.memory_space<vmem>>) offsets(%arg9 : memref<16xi32, #tpu.memory_space<vmem>>) semaphore(%arg14 : memref<!tpu.dma_semaphore, #tpu.memory_space<semaphore_mem>>)
    %dma_start3A_29 = arith.constant 0 : i32
    %dma_start3A_30 = tpu.memref_slice %arg3[%dma_start3A_29] : memref<25600000xf32, #tpu.memory_space<hbm>> -> memref<25600000xf32, #tpu.memory_space<hbm>>
    tpu.enqueue_indirect_dma source(%dma_start3A_30 : memref<25600000xf32, #tpu.memory_space<hbm>>) target(%arg12 : memref<16xf32, #tpu.memory_space<vmem>>) offsets(%arg10 : memref<16xi32, #tpu.memory_space<vmem>>) semaphore(%arg15 : memref<!tpu.dma_semaphore, #tpu.memory_space<semaphore_mem>>)
    %dma_wait3A = arith.constant 0 : i32
    %dma_wait3A_31 = tpu.memref_slice %arg2[%dma_wait3A] : memref<28800000xf32, #tpu.memory_space<hbm>> -> memref<28800000xf32, #tpu.memory_space<hbm>>
    tpu.wait_indirect_dma semaphore(%arg14 : memref<!tpu.dma_semaphore, #tpu.memory_space<semaphore_mem>>) src(%dma_wait3A_31 : memref<28800000xf32, #tpu.memory_space<hbm>>) dst(%arg11 : memref<16xf32, #tpu.memory_space<vmem>>)
    %dma_wait3A_32 = arith.constant 0 : i32
    %dma_wait3A_33 = tpu.memref_slice %arg3[%dma_wait3A_32] : memref<25600000xf32, #tpu.memory_space<hbm>> -> memref<25600000xf32, #tpu.memory_space<hbm>>
    tpu.wait_indirect_dma semaphore(%arg15 : memref<!tpu.dma_semaphore, #tpu.memory_space<semaphore_mem>>) src(%dma_wait3A_33 : memref<25600000xf32, #tpu.memory_space<hbm>>) dst(%arg12 : memref<16xf32, #tpu.memory_space<vmem>>)
    %get3A_34 = arith.constant 0 : index
    %get3A_35 = tpu.vector_load %arg11[%get3A_34] {strides = array<i32>} : memref<16xf32, #tpu.memory_space<vmem>>, vector<16xf32>,
    %get3A_36 = vector.shape_cast %get3A_35 : vector<16xf32> to vector<16xf32>
    %get3A_37 = arith.constant 0 : index
    %get3A_38 = tpu.vector_load %arg12[%get3A_37] {strides = array<i32>} : memref<16xf32, #tpu.memory_space<vmem>>, vector<16xf32>,
    %get3A_39 = vector.shape_cast %get3A_38 : vector<16xf32> to vector<16xf32>
    %div3A = arith.divf %get3A_36, %get3A_39 : vector<16xf32>
    %get3A_40 = arith.constant 0 : index
    %get3A_41 = tpu.vector_load %arg8[%get3A_40] {strides = array<i32>} : memref<16xf32, #tpu.memory_space<vmem>>, vector<16xf32>,
    %get3A_42 = vector.shape_cast %get3A_41 : vector<16xf32> to vector<16xf32>
    %lt3A = arith.cmpf olt, %div3A, %get3A_42 : vector<16xf32>
    %ge3A = arith.constant 8 : i32
    %ge3A_43 = vector.broadcast %ge3A : i32 to vector<16xi32>
    %ge3A_44 = arith.cmpi sge, %iota3A, %ge3A_43 : vector<16xi32>
    %or3A = arith.ori %lt3A, %ge3A_44 : vector<16xi1>
    %jit3A = arith.constant 1 : i32
    %jit3A_45 = arith.constant 0 : i32
    %broadcast_in_dim3A = vector.broadcast %jit3A : i32 to vector<16xi32>
    %broadcast_in_dim3A_46 = vector.broadcast %jit3A_45 : i32 to vector<16xi32>
    %select_n3A = arith.select %or3A, %broadcast_in_dim3A, %broadcast_in_dim3A_46 : vector<16xi1>, vector<16xi32>
    %slice3A = vector.extract_strided_slice %select_n3A {offsets = [7], sizes = [1], strides = [1]} : vector<16xi32> to vector<1xi32>
    %squeeze3A = vector.extract %slice3A[0] : i32 from vector<1xi32>
    %eq3A = arith.constant 1 : i32
    %eq3A_47 = arith.cmpi eq, %squeeze3A, %eq3A : i32
    %jit3A_48 = arith.constant 7 : i32
    %jit3A_49 = arith.constant 8 : i32
    %select_n3A_50 = arith.select %eq3A_47, %jit3A_48, %jit3A_49 : i32
    %slice3A_51 = vector.extract_strided_slice %select_n3A {offsets = [6], sizes = [1], strides = [1]} : vector<16xi32> to vector<1xi32>
    %squeeze3A_52 = vector.extract %slice3A_51[0] : i32 from vector<1xi32>
    %eq3A_53 = arith.constant 1 : i32
    %eq3A_54 = arith.cmpi eq, %squeeze3A_52, %eq3A_53 : i32
    %jit3A_55 = arith.constant 6 : i32
    %select_n3A_56 = arith.select %eq3A_54, %jit3A_55, %select_n3A_50 : i32
    %slice3A_57 = vector.extract_strided_slice %select_n3A {offsets = [5], sizes = [1], strides = [1]} : vector<16xi32> to vector<1xi32>
    %squeeze3A_58 = vector.extract %slice3A_57[0] : i32 from vector<1xi32>
    %eq3A_59 = arith.constant 1 : i32
    %eq3A_60 = arith.cmpi eq, %squeeze3A_58, %eq3A_59 : i32
    %jit3A_61 = arith.constant 5 : i32
    %select_n3A_62 = arith.select %eq3A_60, %jit3A_61, %select_n3A_56 : i32
    %slice3A_63 = vector.extract_strided_slice %select_n3A {offsets = [4], sizes = [1], strides = [1]} : vector<16xi32> to vector<1xi32>
    %squeeze3A_64 = vector.extract %slice3A_63[0] : i32 from vector<1xi32>
    %eq3A_65 = arith.constant 1 : i32
    %eq3A_66 = arith.cmpi eq, %squeeze3A_64, %eq3A_65 : i32
    %jit3A_67 = arith.constant 4 : i32
    %select_n3A_68 = arith.select %eq3A_66, %jit3A_67, %select_n3A_62 : i32
    %slice3A_69 = vector.extract_strided_slice %select_n3A {offsets = [3], sizes = [1], strides = [1]} : vector<16xi32> to vector<1xi32>
    %squeeze3A_70 = vector.extract %slice3A_69[0] : i32 from vector<1xi32>
    %eq3A_71 = arith.constant 1 : i32
    %eq3A_72 = arith.cmpi eq, %squeeze3A_70, %eq3A_71 : i32
    %jit3A_73 = arith.constant 3 : i32
    %select_n3A_74 = arith.select %eq3A_72, %jit3A_73, %select_n3A_68 : i32
    %slice3A_75 = vector.extract_strided_slice %select_n3A {offsets = [2], sizes = [1], strides = [1]} : vector<16xi32> to vector<1xi32>
    %squeeze3A_76 = vector.extract %slice3A_75[0] : i32 from vector<1xi32>
    %eq3A_77 = arith.constant 1 : i32
    %eq3A_78 = arith.cmpi eq, %squeeze3A_76, %eq3A_77 : i32
    %jit3A_79 = arith.constant 2 : i32
    %select_n3A_80 = arith.select %eq3A_78, %jit3A_79, %select_n3A_74 : i32
    %slice3A_81 = vector.extract_strided_slice %select_n3A {offsets = [1], sizes = [1], strides = [1]} : vector<16xi32> to vector<1xi32>
    %squeeze3A_82 = vector.extract %slice3A_81[0] : i32 from vector<1xi32>
    %eq3A_83 = arith.constant 1 : i32
    %eq3A_84 = arith.cmpi eq, %squeeze3A_82, %eq3A_83 : i32
    %jit3A_85 = arith.constant 1 : i32
    %select_n3A_86 = arith.select %eq3A_84, %jit3A_85, %select_n3A_80 : i32
    %slice3A_87 = vector.extract_strided_slice %select_n3A {offsets = [0], sizes = [1], strides = [1]} : vector<16xi32> to vector<1xi32>
    %squeeze3A_88 = vector.extract %slice3A_87[0] : i32 from vector<1xi32>
    %eq3A_89 = arith.constant 1 : i32
    %eq3A_90 = arith.cmpi eq, %squeeze3A_88, %eq3A_89 : i32
    %jit3A_91 = arith.constant 0 : i32
    %select_n3A_92 = arith.select %eq3A_90, %jit3A_91, %select_n3A_86 : i32
    %lt3A_93 = vector.broadcast %select_n3A_92 : i32 to vector<16xi32>
    %lt3A_94 = arith.cmpi slt, %iota3A, %lt3A_93 : vector<16xi32>
    %jit3A_95 = arith.constant -1 : i32
    %broadcast_in_dim3A_96 = vector.broadcast %jit3A_95 : i32 to vector<16xi32>
    %select_n3A_97 = arith.select %lt3A_94, %get3A_4, %broadcast_in_dim3A_96 : vector<16xi1>, vector<16xi32>
    %eq3A_98 = arith.constant 15 : i32
    %eq3A_99 = vector.broadcast %eq3A_98 : i32 to vector<16xi32>
    %eq3A_100 = arith.cmpi eq, %iota3A, %eq3A_99 : vector<16xi32>
    %broadcast_in_dim3A_101 = vector.broadcast %select_n3A_92 : i32 to vector<16xi32>
    %select_n3A_102 = arith.select %eq3A_100, %broadcast_in_dim3A_101, %select_n3A_97 : vector<16xi1>, vector<16xi32>
    %swap3A_103 = arith.constant 0 : index
    %swap3A_104 = tpu.vector_load %arg13[%swap3A_103] {strides = array<i32>} : memref<16xi32, #tpu.memory_space<vmem>>, vector<16xi32>,
    %swap3A_105 = vector.shape_cast %swap3A_104 : vector<16xi32> to vector<16xi32>
    %swap3A_106 = vector.shape_cast %select_n3A_102 : vector<16xi32> to vector<16xi32>
    tpu.vector_store %arg13[%swap3A_103], %swap3A_106 {strides = array<i32>} : memref<16xi32, #tpu.memory_space<vmem>>, vector<16xi32>,
    "tpu.region"() ({
      %run_scoped3A = tpu.sem_alloc : memref<!tpu.dma_semaphore, #tpu.memory_space<semaphore_mem>>
      %dma_start3A_107 = arith.constant 0 : i32
      %dma_start3A_108 = tpu.memref_slice %arg6[%add3A, %dma_start3A_107] : memref<32x16xi32, #tpu.memory_space<hbm>> -> memref<1x16xi32, #tpu.memory_space<hbm>>
      %dma_start3A_109 = tpu.memref_squeeze %dma_start3A_108 : memref<1x16xi32, #tpu.memory_space<hbm>> -> memref<16xi32, #tpu.memory_space<hbm>>
      %dma_start3A_110 = arith.constant 0 : i32
      %dma_start3A_111 = tpu.memref_slice %arg6[%add3A, %dma_start3A_110] : memref<32x16xi32, #tpu.memory_space<hbm>> -> memref<1x16xi32, #tpu.memory_space<hbm>>
      %dma_start3A_112 = tpu.memref_squeeze %dma_start3A_111 : memref<1x16xi32, #tpu.memory_space<hbm>> -> memref<16xi32, #tpu.memory_space<hbm>>
      tpu.enqueue_dma source(%arg13 : memref<16xi32, #tpu.memory_space<vmem>>) target(%dma_start3A_112 : memref<16xi32, #tpu.memory_space<hbm>>) target_semaphore(%run_scoped3A : memref<!tpu.dma_semaphore, #tpu.memory_space<semaphore_mem>>)
      %dma_wait3A_113 = arith.constant 0 : i32
      %dma_wait3A_114 = tpu.memref_slice %arg6[%add3A, %dma_wait3A_113] : memref<32x16xi32, #tpu.memory_space<hbm>> -> memref<1x16xi32, #tpu.memory_space<hbm>>
      %dma_wait3A_115 = tpu.memref_squeeze %dma_wait3A_114 : memref<1x16xi32, #tpu.memory_space<hbm>> -> memref<16xi32, #tpu.memory_space<hbm>>
      %dma_wait3A_116 = arith.constant 0 : i32
      %dma_wait3A_117 = tpu.memref_slice %arg6[%add3A, %dma_wait3A_116] : memref<32x16xi32, #tpu.memory_space<hbm>> -> memref<1x16xi32, #tpu.memory_space<hbm>>
      %dma_wait3A_118 = tpu.memref_squeeze %dma_wait3A_117 : memref<1x16xi32, #tpu.memory_space<hbm>> -> memref<16xi32, #tpu.memory_space<hbm>>
      tpu.wait_dma2 semaphore(%run_scoped3A : memref<!tpu.dma_semaphore, #tpu.memory_space<semaphore_mem>>) src(%arg13 : memref<16xi32, #tpu.memory_space<vmem>>) dst(%dma_wait3A_118 : memref<16xi32, #tpu.memory_space<hbm>>)
      tpu.yield
    }) : () -> ()
    return
  }
}

module attributes {stable_mosaic.version = 14 : i64} {
  func.func @_tc_phase2(%arg0: i32, %arg1: memref<32xi32, #tpu.memory_space<smem>>, %arg2: memref<1x1x8x12500xf32, #tpu.memory_space<vmem>>, %arg3: memref<1x1x8x12500xf32, #tpu.memory_space<vmem>>, %arg4: memref<1x8x12500xf32, #tpu.memory_space<vmem>>, %arg5: memref<1x1x16xi32, #tpu.memory_space<vmem>>, %arg6: memref<1x1x16xi32, #tpu.memory_space<vmem>>) attributes {dimension_semantics = [#tpu.dimension_semantics<arbitrary>], iteration_bounds = array<i64: 32>, scalar_prefetch = 1 : i64, scratch_operands = 0 : i64, tpu.core_type = #tpu.core_type<tc>, window_params = [{transform_indices = @transform_0, window_bounds = array<i64: 1, 1, 8, 12500>}, {transform_indices = @transform_1, window_bounds = array<i64: 1, 1, 8, 12500>}, {transform_indices = @transform_2, window_bounds = array<i64: 1, 8, 12500>}, {transform_indices = @transform_3, window_bounds = array<i64: 1, 1, 16>}, {transform_indices = @transform_4, window_bounds = array<i64: 1, 1, 16>}]} {
    %get3A = arith.index_cast %arg0 : i32 to index
    %get3A_0 = memref.load %arg1[%get3A] : memref<32xi32, #tpu.memory_space<smem>>
    %get3A_1 = arith.constant 0 : index
    %get3A_2 = arith.constant 0 : index
    %get3A_3 = arith.constant 0 : index
    %get3A_4 = arith.constant 0 : index
    %get3A_5 = vector.load %arg2[%get3A_1, %get3A_2, %get3A_3, %get3A_4] : memref<1x1x8x12500xf32, #tpu.memory_space<vmem>>, vector<1x1x8x12500xf32>
    %get3A_6 = vector.shape_cast %get3A_5 : vector<1x1x8x12500xf32> to vector<8x12500xf32>
    %get3A_7 = arith.constant 0 : index
    %get3A_8 = arith.constant 0 : index
    %get3A_9 = arith.constant 0 : index
    %get3A_10 = arith.constant 0 : index
    %get3A_11 = vector.load %arg3[%get3A_7, %get3A_8, %get3A_9, %get3A_10] : memref<1x1x8x12500xf32, #tpu.memory_space<vmem>>, vector<1x1x8x12500xf32>
    %get3A_12 = vector.shape_cast %get3A_11 : vector<1x1x8x12500xf32> to vector<8x12500xf32>
    %get3A_13 = arith.constant 0 : index
    %get3A_14 = arith.constant 0 : index
    %get3A_15 = arith.constant 0 : index
    %get3A_16 = vector.load %arg4[%get3A_13, %get3A_14, %get3A_15] : memref<1x8x12500xf32, #tpu.memory_space<vmem>>, vector<1x8x12500xf32>
    %get3A_17 = vector.shape_cast %get3A_16 : vector<1x8x12500xf32> to vector<8x12500xf32>
    %lt3A = arith.constant 8 : i32
    %lt3A_18 = arith.cmpi slt, %get3A_0, %lt3A : i32
    %jit3A = arith.constant 1.000000e+00 : f32
    %jit3A_19 = arith.constant 0.000000e+00 : f32
    %select_n3A = arith.select %lt3A_18, %jit3A, %jit3A_19 : f32
    %mul3A = vector.broadcast %select_n3A : f32 to vector<8x12500xf32>
    %mul3A_20 = arith.mulf %mul3A, %get3A_12 : vector<8x12500xf32>
    %sub3A = arith.subf %get3A_6, %mul3A_20 : vector<8x12500xf32>
    %max3A = arith.constant 0.000000e+00 : f32
    %max3A_21 = vector.broadcast %max3A : f32 to vector<8x12500xf32>
    %max3A_22 = arith.maximumf %sub3A, %max3A_21 : vector<8x12500xf32>
    %max3A_23 = arith.constant 9.99999968E-21 : f32
    %max3A_24 = vector.broadcast %max3A_23 : f32 to vector<8x12500xf32>
    %max3A_25 = arith.maximumf %max3A_22, %max3A_24 : vector<8x12500xf32>
    %log3A = math.log %max3A_25 : vector<8x12500xf32>
    %add3A = arith.addf %log3A, %get3A_17 : vector<8x12500xf32>
    %reduce_max3A = vector.shape_cast %add3A : vector<8x12500xf32> to vector<1x8x12500xf32>
    %reduce_max3A_26 = arith.constant dense<0xFF800000> : vector<1xf32>
    %reduce_max3A_27 = vector.multi_reduction <maximumf>, %reduce_max3A, %reduce_max3A_26 [1, 2] : vector<1x8x12500xf32> to vector<1xf32>
    %reduce_max3A_28 = vector.shape_cast %reduce_max3A_27 : vector<1xf32> to vector<1x1x1xf32>
    %reduce_max3A_29 = vector.extract %reduce_max3A_28[0, 0, 0] : f32 from vector<1x1x1xf32>
    %iota3A = tpu.iota {dimensions = array<i32: 0>} : vector<8x12500xi32>
    %mul3A_30 = arith.constant 12500 : i32
    %mul3A_31 = vector.broadcast %mul3A_30 : i32 to vector<8x12500xi32>
    %mul3A_32 = arith.muli %iota3A, %mul3A_31 : vector<8x12500xi32>
    %iota3A_33 = tpu.iota {dimensions = array<i32: 1>} : vector<8x12500xi32>
    %add3A_34 = arith.addi %mul3A_32, %iota3A_33 : vector<8x12500xi32>
    %eq3A = vector.broadcast %reduce_max3A_29 : f32 to vector<8x12500xf32>
    %eq3A_35 = arith.cmpf oeq, %add3A, %eq3A : vector<8x12500xf32>
    %jit3A_36 = arith.constant 2147483647 : i32
    %broadcast_in_dim3A = vector.broadcast %jit3A_36 : i32 to vector<8x12500xi32>
    %select_n3A_37 = arith.select %eq3A_35, %add3A_34, %broadcast_in_dim3A : vector<8x12500xi1>, vector<8x12500xi32>
    %reduce_min3A = vector.shape_cast %select_n3A_37 : vector<8x12500xi32> to vector<1x8x12500xi32>
    %reduce_min3A_38 = arith.constant dense<2147483647> : vector<1xi32>
    %reduce_min3A_39 = vector.multi_reduction <minsi>, %reduce_min3A, %reduce_min3A_38 [1, 2] : vector<1x8x12500xi32> to vector<1xi32>
    %reduce_min3A_40 = vector.shape_cast %reduce_min3A_39 : vector<1xi32> to vector<1x1x1xi32>
    %reduce_min3A_41 = vector.extract %reduce_min3A_40[0, 0, 0] : i32 from vector<1x1x1xi32>
    %iota3A_42 = tpu.iota {dimensions = array<i32: 1>} : vector<1x16xi32>
    %eq3A_43 = vector.broadcast %get3A_0 : i32 to vector<1x16xi32>
    %eq3A_44 = arith.cmpi eq, %iota3A_42, %eq3A_43 : vector<1x16xi32>
    %get3A_45 = arith.constant 0 : index
    %get3A_46 = arith.constant 0 : index
    %get3A_47 = arith.constant 0 : index
    %get3A_48 = vector.load %arg5[%get3A_45, %get3A_46, %get3A_47] : memref<1x1x16xi32, #tpu.memory_space<vmem>>, vector<1x1x16xi32>
    %get3A_49 = vector.shape_cast %get3A_48 : vector<1x1x16xi32> to vector<1x16xi32>
    %broadcast_in_dim3A_50 = vector.broadcast %reduce_min3A_41 : i32 to vector<1x16xi32>
    %select_n3A_51 = arith.select %eq3A_44, %broadcast_in_dim3A_50, %get3A_49 : vector<1x16xi1>, vector<1x16xi32>
    %swap3A = arith.constant 0 : index
    %swap3A_52 = arith.constant 0 : index
    %swap3A_53 = arith.constant 0 : index
    %swap3A_54 = vector.load %arg6[%swap3A, %swap3A_52, %swap3A_53] : memref<1x1x16xi32, #tpu.memory_space<vmem>>, vector<1x1x16xi32>
    %swap3A_55 = vector.shape_cast %swap3A_54 : vector<1x1x16xi32> to vector<1x16xi32>
    %swap3A_56 = vector.shape_cast %select_n3A_51 : vector<1x16xi32> to vector<1x1x16xi32>
    tpu.vector_store %arg6[%swap3A, %swap3A_52, %swap3A_53], %swap3A_56 {strides = array<i32>} : memref<1x1x16xi32, #tpu.memory_space<vmem>>, vector<1x1x16xi32>,
    return
  }
  func.func @transform_0(%arg0: i32, %arg1: memref<32xi32, #tpu.memory_space<smem>>) -> (i32, i32, i32, i32) {
    %get3A = arith.index_cast %arg0 : i32 to index
    %get3A_0 = memref.load %arg1[%get3A] : memref<32xi32, #tpu.memory_space<smem>>
    %c0_i32 = arith.constant 0 : i32
    %c0_i32_1 = arith.constant 0 : i32
    %c0_i32_2 = arith.constant 0 : i32
    return %arg0, %get3A_0, %c0_i32, %c0_i32_1 : i32, i32, i32, i32
  }
  func.func @transform_1(%arg0: i32, %arg1: memref<32xi32, #tpu.memory_space<smem>>) -> (i32, i32, i32, i32) {
    %get3A = arith.index_cast %arg0 : i32 to index
    %get3A_0 = memref.load %arg1[%get3A] : memref<32xi32, #tpu.memory_space<smem>>
    %min3A = arith.constant 7 : i32
    %min3A_1 = arith.minsi %get3A_0, %min3A : i32
    %c0_i32 = arith.constant 0 : i32
    %c0_i32_2 = arith.constant 0 : i32
    %c0_i32_3 = arith.constant 0 : i32
    return %arg0, %min3A_1, %c0_i32, %c0_i32_2 : i32, i32, i32, i32
  }
  func.func @transform_2(%arg0: i32, %arg1: memref<32xi32, #tpu.memory_space<smem>>) -> (i32, i32, i32) {
    %c0_i32 = arith.constant 0 : i32
    %c0_i32_0 = arith.constant 0 : i32
    %c0_i32_1 = arith.constant 0 : i32
    return %arg0, %c0_i32, %c0_i32_0 : i32, i32, i32
  }
  func.func @transform_3(%arg0: i32, %arg1: memref<32xi32, #tpu.memory_space<smem>>) -> (i32, i32, i32) {
    %c0_i32 = arith.constant 0 : i32
    %c0_i32_0 = arith.constant 0 : i32
    %c0_i32_1 = arith.constant 0 : i32
    return %arg0, %c0_i32, %c0_i32_0 : i32, i32, i32
  }
  func.func @transform_4(%arg0: i32, %arg1: memref<32xi32, #tpu.memory_space<smem>>) -> (i32, i32, i32) {
    %c0_i32 = arith.constant 0 : i32
    %c0_i32_0 = arith.constant 0 : i32
    %c0_i32_1 = arith.constant 0 : i32
    return %arg0, %c0_i32, %c0_i32_0 : i32, i32, i32
  }
}

</mosaic_0001>

<sc_bundles>
// kernel: kernel.6.cloned.1.call-start
scs
__scs_entry_jumppad:
0x0: {  	(pc) =	sbr.rel $0x88, $3  }
0x1: {  	(tag) =	ssettag $0x0;
	lr =	simm.s32 $0x1  }
0x2: {  	[smem:$0x3F9E] =	sst lr;
	_ =	strace $0xD0000000  }
0x3: {  	_ = 	snop  }
0x4: {  	_ = 	snop  }
0x5: {  	_ = 	snop  }
0x6: {  	_ = 	snop  }
0x7: {  	_ = 	snop  }
__scs_overlays_trampoline_lowered:
0x8: {  	[smem:$0x3FAD] =	sst s0  }
0x9: {  	[smem:$0x3FAE] =	sst s1  }
0xa: {  	[smem:$0x3FAF] =	sst s2  }
0xb: {  	[smem:$0x3FB0] =	sst s3  }
0xc: {  	[smem:$0x3FB1] =	sst s4  }
0xd: {  	[smem:$0x3FB2] =	sst s5  }
0xe: {  	[smem:$0x3FB3] =	sst s6  }
0xf: {  	[smem:$0x3FB4] =	sst s7  }
0x10: {  	[smem:$0x3FB5] =	sst s8  }
0x11: {  	[smem:$0x3FB6] =	sst s9;
	s0 =	simm.s32 @!p0 $0x0  }
0x12: {  	s1 =	sld [smem:$0x3F9C];
	s0 =	simm.s32 @p0 $0x1  }
0x13: {  	[smem:$0x3FB7] =	sst s0;
	s0 =	simm.s32 @!p1 $0x0  }
0x14: {  	s2 =	sld [smem:$0x3F9B];
	s0 =	simm.s32 @p1 $0x1  }
0x15: {  	[smem:$0x3FB8] =	sst s0;
	s0 =	simm.s32 @!p2 $0x0  }
0x16: {  	s3 =	sld [smem:$0x3FDB];
	s0 =	simm.s32 @p2 $0x1  }
0x17: {  	s4 =	simm.s32 $0x1BF5;
	[smem:$0x3FBA] =	sst s0  }
0x18: {  	s0 =	sld [smem:$0x3F9D];
	_ =	swait.ge [sflag:s4], $0x0  }
0x19: {  	s7 =	sld [smem:$0x3F9E]  }
0x1a: {  	s8 =	sadd.s32 $0xFFFFE003, lr  }
0x1b: {  	s9 =	sadd.s32 $0xFFFFFEF7, lr;
	s5 =	simm.s32 $0xFFFFFFFF;
	p2 =	slt.u32 s8, $0xFFFFF086  }
0x1c: {  	p1 =	slt.u32 s9, $0xF7A;
	s5 =	simm.s32 @!p2 $0x0  }
0x1d: {  	s5 =	simm.s32 @p1 $0x1;
	p0 =	seq.s32 s7, s2  }
0x1e: {  	s7 =	smul.u32 @!p0 $0xF7A, s2;
	p2 =	seq.s32 @!p0 s5, $0x0  }
0x1f: {  	s9 =	smul.u32 $0xF7A, s1;
	s8 =	simm.s32 @!p0 $0x1BF5;
	p2 =	por !p2, p0  }
0x20: {  	[sflag:s8] =	ssyncset.s32 @!p0 $0xFFFFF086;
	s6 =	sadd.s32 @!p0 s3, s7;
	s7 =	simm.s32 @!p0 $0x108  }
0x21: {  	s3 =	sadd.s32 s3, s9;
	s6 =	sadd.s32 @!p0 $0x88, s6;
	s7 =	simm.s32 @p2 $0x1082  }
0x22: {  	[simem:s7], [sflag:s8] =	dma.local @!p0 [hbm:s6], $0xF7A  }
0x23: {  	s9 =	sor.u32 $0xD0000000, s2;
	s6 =	simm.s32 $0x108;
	_ =	swait.ge @!p0 [sflag:s8], $0x0  }
0x24: {  	s3 =	sadd.s32 $0x88, s3;
	s6 =	simm.s32 @!p1 $0x1082;
	[sflag:s4] =	ssyncset.s32 $0xFFFFF086  }
0x25: {  	[simem:s6], [sflag:s4] =	dma.local [hbm:s3], $0xF7A  }
0x26: {  	[smem:$0x3F9E] =	sst s1;
	(tag) =	ssettag s2;
	_ =	strace s9  }
0x27: {  	s1 =	sld [smem:$0x3FAE]  }
0x28: {  	s2 =	sld [smem:$0x3FAF]  }
0x29: {  	s4 =	sld [smem:$0x3FB1]  }
0x2a: {  	p0 =	seq.s32 s5, $0x0;
	s5 =	sld [smem:$0x3FB2]  }
0x2b: {  	s6 =	sld [smem:$0x3FB3]  }
0x2c: {  	s7 =	sld [smem:$0x3FB4]  }
0x2d: {  	s3 =	simm.s32 $0x108;
	s8 =	sld [smem:$0x3FB5]  }
0x2e: {  	s3 =	simm.s32 @!p0 $0x1082;
	s9 =	sld [smem:$0x3FB6]  }
0x2f: {  	lr =	sadd.s32 s0, s3;
	s0 =	sld [smem:$0x3FAD]  }
0x30: {  	s3 =	sld [smem:$0x3FB0]  }
0x31: {  	[smem:$0x3FB9] =	sst s10  }
0x32: {  	s10 =	sld [smem:$0x3FB7];
	_ =	sdelay $0x3  }
0x33: {  	p0 =	seq.s32 s10, $0x1;
	s10 =	sld [smem:$0x3FB9];
	_ =	sdelay $0x3  }
0x34: {  	[smem:$0x3FB9] =	sst s10  }
0x35: {  	s10 =	sld [smem:$0x3FB8];
	_ =	sdelay $0x3  }
0x36: {  	p1 =	seq.s32 s10, $0x1;
	s10 =	sld [smem:$0x3FB9];
	_ =	sdelay $0x3  }
0x37: {  	[smem:$0x3FB9] =	sst s10  }
0x38: {  	s10 =	sld [smem:$0x3FBA]  }
0x39: {  	_ = 	snop;
	(pc) =	sbr.ind lr, $3  }
0x3a: {  	_ = 	snop  }
0x3b: {  	_ = 	snop  }
0x3c: {  	p2 =	seq.s32 s10, $0x1;
	s10 =	sld [smem:$0x3FB9]  }
0x3d: {  	_ =	shalt  }
0x3e: {  	_ =	shalt  }
0x3f: {  	_ =	shalt  }
0x40: {  	_ =	shalt  }
0x41: {  	_ =	shalt  }
0x42: {  	_ =	shalt  }
0x43: {  	_ =	shalt  }
0x44: {  	_ =	shalt  }
0x45: {  	_ =	shalt  }
0x46: {  	_ =	shalt  }
0x47: {  	_ =	shalt  }
0x48: {  	_ =	shalt  }
0x49: {  	_ =	shalt  }
0x4a: {  	_ =	shalt  }
0x4b: {  	_ =	shalt  }
0x4c: {  	_ =	shalt  }
0x4d: {  	_ =	shalt  }
0x4e: {  	_ =	shalt  }
0x4f: {  	_ =	shalt  }
0x50: {  	_ =	shalt  }
0x51: {  	_ =	shalt  }
0x52: {  	_ =	shalt  }
0x53: {  	_ =	shalt  }
0x54: {  	_ =	shalt  }
0x55: {  	_ =	shalt  }
0x56: {  	_ =	shalt  }
0x57: {  	_ =	shalt  }
0x58: {  	_ =	shalt  }
0x59: {  	_ =	shalt  }
0x5a: {  	_ =	shalt  }
0x5b: {  	_ =	shalt  }
0x5c: {  	_ =	shalt  }
0x5d: {  	_ =	shalt  }
0x5e: {  	_ =	shalt  }
0x5f: {  	_ =	shalt  }
0x60: {  	_ =	shalt  }
0x61: {  	_ =	shalt  }
0x62: {  	_ =	shalt  }
0x63: {  	_ =	shalt  }
0x64: {  	_ =	shalt  }
0x65: {  	_ =	shalt  }
0x66: {  	_ =	shalt  }
0x67: {  	_ =	shalt  }
0x68: {  	_ =	shalt  }
0x69: {  	_ =	shalt  }
0x6a: {  	_ =	shalt  }
0x6b: {  	_ =	shalt  }
0x6c: {  	_ =	shalt  }
0x6d: {  	_ =	shalt  }
0x6e: {  	_ =	shalt  }
0x6f: {  	_ =	shalt  }
0x70: {  	_ =	shalt  }
0x71: {  	_ =	shalt  }
0x72: {  	_ =	shalt  }
0x73: {  	_ =	shalt  }
0x74: {  	_ =	shalt  }
0x75: {  	_ =	shalt  }
0x76: {  	_ =	shalt  }
0x77: {  	_ =	shalt  }
0x78: {  	_ =	shalt  }
0x79: {  	_ =	shalt  }
0x7a: {  	_ =	shalt  }
0x7b: {  	_ =	shalt  }
0x7c: {  	_ =	shalt  }
0x7d: {  	_ =	shalt  }
0x7e: {  	_ =	shalt  }
0x7f: {  	_ =	shalt  }
0x80: {  	_ =	shalt  }
0x81: {  	_ =	shalt  }
0x82: {  	_ =	shalt  }
0x83: {  	_ =	shalt  }
0x84: {  	_ =	shalt  }
0x85: {  	_ =	shalt  }
0x86: {  	_ =	shalt  }
0x87: {  	_ =	shalt  }
.Lfunc_end0:
.L_simem_size_0:
called_computation_lowered:
.L_overlay_start_0:
0x88: {  	s2 =	sld [smem:$0x3FD9]  }
0x89: {  	s3 =	sld [smem:$0x3FFE];
	_ =	sdelay $0x1  }
0x8a: {  	s1 =	srdreg.scid  }
0x8b: {  	s0 =	sand.u32 $0x1, s1  }
0x8c: {  	s16 =	sshll.u32 s0, $0xA;
	s2 =	sadd.s32 s3, s2  }
0x8d: {  	s2 =	sadd.s32 s2, s16  }
0x8e: {  	[smem:$0x3FC5] =	sst s2  }
0x8f: {  	_ = 	snop  }
0x90: {  	(tm) =	ssettm $0x1  }
0x91: {  	s17 =	sld [smem:$0x3FFB];
	_ =	sdelay $0x3  }
0x92: {  	_ =	strace s17  }
0x93: {  	s2 =	sld [smem:$0x3FFC];
	_ =	sdelay $0x3  }
0x94: {  	_ =	strace s2  }
0x95: {  	s2 =	sld [smem:$0x3FFD];
	_ =	sdelay $0x3  }
0x96: {  	_ =	strace s2  }
0x97: {  	_ =	strace $0x8FFFFFFF  }
0x98: {  	s18 =	sld [smem:$0x3FDB];
	_ =	sdelay $0x1  }
0x99: {  	s19 =	simm.s32 $_scs_section_size  }
0x9a: {  	s4 =	simm.s32 $_size__tile_overlayer_lowered;
	s5 =	simm.s32 $_tile_overlayer_lowered  }
0x9b: {  	s22 =	simm.s32 $0x1BFF;
	s21 =	sshll.u32 s5, $0x1;
	s2 =	sadd.s32 s19, s18  }
0x9c: {  	s6 =	simm.s32 $0x0;
	s20 =	sshll.u32 s4, $0x1;
	s4 =	sadd.s32 s21, s2  }
0x9d: {  	[timem:s6], [sflag:s22] =	dma.local [hbm:s4], s20  }
0x9e: {  	_ =	swait.ge [sflag:s22], s20  }
0x9f: {  	s3 =	ssub.s32 $0x0, s20;
	[sflag:s22] =	ssyncset.done $0x0  }
0xa0: {  	[sflag:s22] =	ssyncadd.s32 s3;
	_ =	sdelay $0x1  }
0xa1: {  	s23 =	simm.s32 $0x1B8B  }
0xa2: {  	_ =	swait.ge [sflag:s23], $0x1  }
0xa3: {  	[sflag:s23] =	ssyncset.done $0x0  }
0xa4: {  	s25 =	simm.s32 $0x1B8E;
	s24 =	sld [smem:$0x3FFE];
	[sflag:s23] =	ssyncadd.s32 $0xFFFFFFFF  }
0xa5: {  	s26 =	simm.s32 $execute0_lowered;
	[smem:$0x3FD2] =	sst s25  }
0xa6: {  	s4 =	sshll.u32 s26, $0x1;
	_ =	strace $0x80000046;
	[dreg:$0x1] =	wrdreg $0xFFFFFFFF  }
0xa7: {  	s28 =	simm.s32 $_size_execute0_lowered;
	s2 =	sadd.s32 s2, s4;
	[dreg:$0x0] =	wrdreg $0x0  }
0xa8: {  	s4 =	sshll.u32 s28, $0x1;
	[dreg:$0x2] =	wrdreg s2  }
0xa9: {  	[dreg:$0x3] =	wrdreg s4  }
0xaa: {  	[dreg:$0x4] =	wrdreg $0xC0  }
0xab: {  	_ =	task [dreg:s6], $0x5FFFF  }
0xac: {  	[dreg:$0x1] =	wrdreg $0xFFFFFFFF  }
0xad: {  	[dreg:$0x0] =	wrdreg $0x60  }
0xae: {  	[dreg:$0x2] =	wrdreg s24  }
0xaf: {  	[dreg:$0x3] =	wrdreg $0x9  }
0xb0: {  	_ =	task.clear_ibuf [dreg:s6], $0x4FFFF;
	_ =	strace $0x90000046  }
0xb1: {  	s29 =	simm.s32 $0x9;
	_ =	strace $0x80000048  }
0xb2: {  	_ =	swait.ge [sflag:s29], $0x1  }
0xb3: {  	[sflag:s29] =	ssyncadd.s32 $0xFFFFFFFF  }
0xb4: {  	_ =	strace $0x90000048  }
0xb5: {  	_ =	sfence  }
0xb6: {  	s30 =	sld [smem:$0x0];
	_ =	sdelay $0x2  }
0xb7: {  	s31 =	sshll.u32 s1, $0xD;
	s1 =	sshrl.u32 s1, $0x2  }
0xb8: {  	s3 =	sand.u32 $0x4000, s31;
	s1 =	sadd.s32 s1, s30  }
0xb9: {  	s0 =	sor.u32 s3, s0;
	s1 =	sshll.u32 s1, $0x11  }
0xba: {  	s0 =	sor.u32 s1, s0  }
0xbb: {  	s0 =	sadd.s32 $0x8F2B, s0  }
0xbc: {  	[sflag:s0] =	ssyncadd.remote.s32 $0x1  }
0xbd: {  	_ =	sfence.sel $0xFFFF  }
0xbe: {  	[dreg:$0x0] =	wrdreg $0xFFFFFFFF;
	(pc) =	sbr.abs _section_cstart, $3  }
0xbf: {  	[dreg:$0x1] =	wrdreg $0xFFFFFFFF  }
0xc0: {  	_ =	task.clear_ibuf [dreg:s6], $0x2FFFF;
	_ =	strace $0x9FFFFFFF  }
0xc1: {  	(tm) =	ssettm $0x7FFFFFFF  }
tec
execute0_lowered:
.L_overlay_start_1:
0x0: {  	(tag) =	ssettag $0x1  }
0x1: {  	s1 =	srdreg.scid;
	s0 =	stileid.u32  }
0x2: {  	s7 =	rddreg [dreg:$0x0];
	s15 =	sand.u32 $0x1, s1;
	s3 =	sshll.u32 s0, $0x1  }
0x3: {  	s2 =	simm.s32 $0x0;
	s1 =	rddreg [dreg:$0x1];
	s8 =	sor.u32 s15, s3  }
0x4: {  	[smem:$0x7FF] =	sst s2;
	s3 =	sshll.u32 s8, $0x4  }
0x5: {  	s4 =	sadd.s32 $0xA00, s7;
	_ =	strace $0x80000047;
	s16 =	sadd.s32 s3, s7  }
0x6: {  	[dreg:$0x2] =	wrdreg s4;
	s3 =	simm.s32 $0x3;
	s4 =	sadd.s32 $0x67CE00, s16  }
0x7: {  	[tilespmem:s2], [sflag:$0x3] =	stream.linear.gather [hbm4b:s4+s2], $0x80, $0x38;
	[tilespmem:$0x380] =	vst v63  }
0x8: {  	_ =	swait.ge [sflag:s3], $0x80  }
0x9: {  	[sflag:s3] =	ssyncset.done $0x0  }
0xa: {  	s6 =	simm.s32 $0x80;
	v0 =	vimm.s32 $0xAAE60;
	vm0 =	vcmask $0x300;
	s5 =	sadd.s32 $0x67D000, s16;
	[sflag:s3] =	ssyncadd.s32 $0xFFFFFF80  }
0xb: {  	v0 =	vsel vm0, $0x0, v0;
	vm0 =	vcmask $0x704;
	[tilespmem:s6], [sflag:$0x3] =	stream.linear.gather [hbm4b:s5+s2], $0x80, $0x38;
	[tilespmem:$0x380] =	vst v63  }
0xc: {  	v0 =	vsel vm0, $0x186A0, v0;
	vm0 =	vcmask $0xB08;
	s9 =	smul.u32 $0x9, s8;
	_ =	swait.ge [sflag:s3], $0x80  }
0xd: {  	v0 =	vsel vm0, $0x30D40, v0;
	vm0 =	vcmask $0xF0C;
	[sflag:s3] =	ssyncset.done $0x0  }
0xe: {  	s8 =	sshll.u32 s8, $0x3;
	v0 =	vsel vm0, $0x493E0, v0;
	v1 =	vmov s9;
	[sflag:s3] =	ssyncadd.s32 $0xFFFFFF80  }
0xf: {  	vm0 =	vcmask $0x1310;
	v2 =	vmov s8;
	v1 =	vmul.u32 $0x186A0, v1;
	v4 =	vld [tilespmem:$0x0]  }
0x10: {  	v0 =	vsel vm0, $0x61A80, v0;
	vm0 =	vcmask $0x1714;
	v2 =	vmul.u32 $0x186A0, v2  }
0x11: {  	v0 =	vsel vm0, $0x7A120, v0;
	vm0 =	vcmask $0x1B18;
	v1 =	vbroadcast v1, $0x0  }
0x12: {  	v3 =	vsel vm0, $0x927C0, v0;
	v2 =	vbroadcast v2, $0x0  }
0x13: {  	v0 =	vadd.s32 v3, v1  }
0x14: {  	v1 =	vadd.s32 v3, v2;
	v2 =	vadd.s32 v0, v4  }
0x15: {  	s10 =	simm.s32 $0x200;
	s12 =	simm.s32 $0x280;
	v3 =	vadd.s32 v1, v4;
	[tilespmem:$0x100] =	vst v2  }
0x16: {  	s8 =	simm.s32 $0x10;
	s9 =	simm.s32 $0x100;
	s11 =	rddreg [dreg:$0x2];
	[tilespmem:$0x180] =	vst v3  }
0x17: {  	[tilespmem:s10], [sflag:$0x1] =	stream.indirect.gather [hbm4b:s11+s8], $0x1, s9, s8, $0xb8;
	[tilespmem:$0x380] =	vst v63  }
0x18: {  	s13 =	simm.s32 $0x1;
	s7 =	sadd.s32 $0x36FA00, s7;
	s11 =	simm.s32 $0x180  }
0x19: {  	[tilespmem:s12], [sflag:$0x2] =	stream.indirect.gather [hbm4b:s7+s8], $0x1, s11, s8, $0xb8;
	[tilespmem:$0x380] =	vst v63  }
0x1a: {  	_ =	swait.ge [sflag:s13], $0x10  }
0x1b: {  	[sflag:s13] =	ssyncset.done $0x0  }
0x1c: {  	s14 =	simm.s32 $0x2;
	[sflag:s13] =	ssyncadd.s32 $0xFFFFFFF0  }
0x1d: {  	_ =	swait.ge [sflag:s14], $0x10  }
0x1e: {  	[sflag:s14] =	ssyncset.done $0x0  }
0x1f: {  	[sflag:s14] =	ssyncadd.s32 $0xFFFFFFF0  }
0x20: {  	v2 =	vld [tilespmem:$0x280];
	_ =	sdelay $0x4  }
0x21: {  	(erf) = vrcp.f32 v2;
	_ =	sdelay $0x4  }
0x22: {  	v2 =	vld [tilespmem:$0x200];
	_ =	sdelay $0x1  }
0x23: {  	v3 =	vld [tilespmem:$0x80];
	_ =	sdelay $0x1  }
0x24: {  	v5 =	vpop (erf)  }
0x25: {  	v5 =	vmul.f32 v5, v2;
	_ =	sdelay $0x1  }
0x26: {  	v2 =	vimm.s32 $0x0;
	vm0 =	vlt.f32 v5, v3  }
0x27: {  	v3 =	vsel vm0, $0x1, v2  }
0x28: {  	(v2sf) =	vpush v3, $0x7  }
0x29: {  	(v2sf) =	vpush v3, $0x6  }
0x2a: {  	(v2sf) =	vpush v3, $0x5  }
0x2b: {  	(v2sf) =	vpush v3, $0x4  }
0x2c: {  	(v2sf) =	vpush v3, $0x3  }
0x2d: {  	(v2sf) =	vpush v3, $0x2  }
0x2e: {  	(v2sf) =	vpush v3, $0x1  }
0x2f: {  	(v2sf) =	vpush v3, $0x0;
	_ =	sdelay $0x7  }
0x30: {  	s18 =	simm.s32 $0x8;
	s17 =	spop (v2sf)  }
0x31: {  	s15 =	ssub.s32 $0x2, s15;
	p0 =	seq.s32 s17, $0x0;
	s23 =	spop (v2sf)  }
0x32: {  	s18 =	simm.s32 @!p0 $0x7;
	p0 =	seq.s32 s23, $0x0;
	s24 =	spop (v2sf)  }
0x33: {  	s18 =	simm.s32 @!p0 $0x6;
	p0 =	seq.s32 s24, $0x0;
	s25 =	spop (v2sf)  }
0x34: {  	s18 =	simm.s32 @!p0 $0x5;
	p0 =	seq.s32 s25, $0x0;
	s26 =	spop (v2sf)  }
0x35: {  	s18 =	simm.s32 @!p0 $0x4;
	p0 =	seq.s32 s26, $0x0;
	s28 =	spop (v2sf)  }
0x36: {  	s18 =	simm.s32 @!p0 $0x3;
	p0 =	seq.s32 s28, $0x0;
	s29 =	spop (v2sf)  }
0x37: {  	s18 =	simm.s32 @!p0 $0x2;
	p0 =	seq.s32 s29, $0x0;
	s30 =	spop (v2sf)  }
0x38: {  	s31 =	sshrl.u32 s15, $0x1;
	s18 =	simm.s32 @!p0 $0x1;
	p0 =	seq.s32 s30, $0x0  }
0x39: {  	s17 =	ssub.s32 s15, s31;
	s18 =	simm.s32 @!p0 $0x0  }
0x3a: {  	v3 =	vlaneseq.u32;
	s17 =	smax.u32 s17, $0x1;
	v5 =	vmov s18  }
0x3b: {  	p0 =	sne.s32 s17, $0x1;
	vm1 =	vgt.s32 v5, v3  }
.Ltmp0:
0x3c: {  	vm0 =	vcmask $0x3F3C;
	v4 =	vnsel vm1, $0xFFFFFFFF, v4;
	(pc) =	sbr.rel @!p0 .LBB2_2-.Ltmp0, $4  }
0x3d: {  	v4 =	vsel vm0, s18, v4  }
0x3e: {  	s15 =	sadd.s32 $0x67D200, s16;
	s16 =	simm.s32 $0x300;
	[tilespmem:$0x300] =	vst v4  }
0x3f: {  	[hbm4b:s15+s2] =	stream.linear.scatter [tilespmem:s16], [sflag:$0x3], $0x80, $0x38;
	[tilespmem:$0x380] =	vst v63  }
0x40: {  	s17 =	sadd.s32 $0xFFFFFFFF, s17;
	_ =	swait.ge [sflag:s3], $0x80  }
.LBB2_1:
0x41: {  	[sflag:s3] =	ssyncset.done $0x0  }
0x42: {  	[sflag:s3] =	ssyncadd.s32 $0xFFFFFF80  }
0x43: {  	[tilespmem:s2], [sflag:$0x3] =	stream.linear.gather [hbm4b:s4+s2], $0x80, $0x38;
	[tilespmem:$0x380] =	vst v63  }
0x44: {  	_ =	swait.ge [sflag:s3], $0x80  }
0x45: {  	[sflag:s3] =	ssyncset.done $0x0  }
0x46: {  	[sflag:s3] =	ssyncadd.s32 $0xFFFFFF80  }
0x47: {  	[tilespmem:s6], [sflag:$0x3] =	stream.linear.gather [hbm4b:s5+s2], $0x80, $0x38;
	[tilespmem:$0x380] =	vst v63  }
0x48: {  	_ =	swait.ge [sflag:s3], $0x80  }
0x49: {  	[sflag:s3] =	ssyncset.done $0x0  }
0x4a: {  	[sflag:s3] =	ssyncadd.s32 $0xFFFFFF80  }
0x4b: {  	v4 =	vld [tilespmem:$0x0];
	_ =	sdelay $0x4  }
0x4c: {  	v5 =	vadd.s32 v0, v4  }
0x4d: {  	v6 =	vadd.s32 v1, v4;
	[tilespmem:$0x100] =	vst v5  }
0x4e: {  	s18 =	rddreg [dreg:$0x2];
	[tilespmem:$0x180] =	vst v6  }
0x4f: {  	[tilespmem:s10], [sflag:$0x1] =	stream.indirect.gather [hbm4b:s18+s8], $0x1, s9, s8, $0xb8;
	[tilespmem:$0x380] =	vst v63  }
0x50: {  	_ = 	snop  }
0x51: {  	[tilespmem:s12], [sflag:$0x2] =	stream.indirect.gather [hbm4b:s7+s8], $0x1, s11, s8, $0xb8;
	[tilespmem:$0x380] =	vst v63  }
0x52: {  	_ =	swait.ge [sflag:s13], $0x10  }
0x53: {  	[sflag:s13] =	ssyncset.done $0x0  }
0x54: {  	[sflag:s13] =	ssyncadd.s32 $0xFFFFFFF0  }
0x55: {  	_ =	swait.ge [sflag:s14], $0x10  }
0x56: {  	[sflag:s14] =	ssyncset.done $0x0  }
0x57: {  	[sflag:s14] =	ssyncadd.s32 $0xFFFFFFF0  }
0x58: {  	v5 =	vld [tilespmem:$0x280];
	_ =	sdelay $0x4  }
0x59: {  	(erf) = vrcp.f32 v5;
	_ =	sdelay $0x4  }
0x5a: {  	v5 =	vld [tilespmem:$0x200];
	_ =	sdelay $0x1  }
0x5b: {  	v63 =	vld [tilespmem:$0x80];
	_ =	sdelay $0x1  }
0x5c: {  	v7 =	vpop (erf)  }
0x5d: {  	v5 =	vmul.f32 v7, v5;
	_ =	sdelay $0x1  }
0x5e: {  	vm1 =	vlt.f32 v5, v63  }
0x5f: {  	v5 =	vsel vm1, $0x1, v2  }
0x60: {  	(v2sf) =	vpush v5, $0x7  }
0x61: {  	(v2sf) =	vpush v5, $0x6  }
0x62: {  	(v2sf) =	vpush v5, $0x5  }
0x63: {  	(v2sf) =	vpush v5, $0x4  }
0x64: {  	(v2sf) =	vpush v5, $0x3  }
0x65: {  	(v2sf) =	vpush v5, $0x2  }
0x66: {  	(v2sf) =	vpush v5, $0x1  }
0x67: {  	(v2sf) =	vpush v5, $0x0;
	_ =	sdelay $0x7  }
0x68: {  	s23 =	spop (v2sf)  }
0x69: {  	s19 =	simm.s32 $0x8;
	p1 =	seq.s32 s23, $0x0;
	s24 =	spop (v2sf)  }
0x6a: {  	s19 =	simm.s32 @!p1 $0x7;
	p1 =	seq.s32 s24, $0x0;
	s25 =	spop (v2sf)  }
0x6b: {  	s19 =	simm.s32 @!p1 $0x6;
	p1 =	seq.s32 s25, $0x0;
	s26 =	spop (v2sf)  }
0x6c: {  	s19 =	simm.s32 @!p1 $0x5;
	p1 =	seq.s32 s26, $0x0;
	s28 =	spop (v2sf)  }
0x6d: {  	s19 =	simm.s32 @!p1 $0x4;
	p1 =	seq.s32 s28, $0x0;
	s29 =	spop (v2sf)  }
0x6e: {  	s19 =	simm.s32 @!p1 $0x3;
	p1 =	seq.s32 s29, $0x0;
	s30 =	spop (v2sf)  }
0x6f: {  	s19 =	simm.s32 @!p1 $0x2;
	p1 =	seq.s32 s30, $0x0;
	s31 =	spop (v2sf)  }
0x70: {  	s19 =	simm.s32 @!p1 $0x1;
	p1 =	seq.s32 s31, $0x0  }
0x71: {  	s19 =	simm.s32 @!p1 $0x0  }
0x72: {  	v5 =	vmov s19  }
0x73: {  	p0 =	sne.s32 s17, $0x1;
	vm1 =	vgt.s32 v5, v3  }
.Ltmp1:
0x74: {  	v4 =	vnsel vm1, $0xFFFFFFFF, v4;
	(pc) =	sbr.rel @p0 .LBB2_1-.Ltmp1, $4  }
0x75: {  	v4 =	vsel vm0, s19, v4  }
0x76: {  	[tilespmem:$0x300] =	vst v4  }
0x77: {  	[hbm4b:s15+s2] =	stream.linear.scatter [tilespmem:s16], [sflag:$0x3], $0x80, $0x38;
	[tilespmem:$0x380] =	vst v63  }
0x78: {  	s17 =	sadd.s32 $0xFFFFFFFF, s17;
	_ =	swait.ge [sflag:s3], $0x80  }
.LBB2_2:
0x79: {  	[sflag:s3] =	ssyncset.done $0x0  }
0x7a: {  	[sflag:s3] =	ssyncadd.s32 $0xFFFFFF80  }
0x7b: {  	_ =	sfence.sel $0x180000  }
0x7c: {  	[bflag:$0x0] =	sbarrier.arrive $0xFFFF  }
0x7d: {  	p0 =	sne.s32 s0, $0x0;
	_ =	strace $0x90000047  }
0x7e: {  	s0 =	sadd.s32 @!p0 $0x100000, s1;
	[bflag:$0x2] =	sbarrier.arrive $0xFFFF  }
0x7f: {  	[sflag:s0] =	ssyncadd.tile.s32 @!p0 $0x1;
	_ =	shalt  }
.Lfunc_end2:
_tile_overlayer_lowered:
.L_overlay_start_2:
0x80: {  	(tag) =	ssettag $0x2  }
0x81: {  	s0 =	rddreg [dreg:$0x0];
	s2 =	stileid.u32  }
0x82: {  	s1 =	rddreg [dreg:$0x1];
	p0 =	sne.s32 s2, $0x0  }
0x83: {  	s3 =	rddreg [dreg:$0x2];
	[bflag:$0x3] =	sbarrier.arrive $0xFFFF;
	s2 =	simm.s32 @!p0 $0x1C03  }
0x84: {  	[timem:s3], [sflag:s2] =	dma.local @!p0 [hbm:s0], s1  }
0x85: {  	s0 =	simm.s32 @!p0 $0x3  }
0x86: {  	_ =	swait.ge @!p0 [sflag:s0], s1  }
0x87: {  	s1 =	ssub.s32 @!p0 $0x0, s1;
	[sflag:s0] =	ssyncset.done @!p0 $0x0  }
0x88: {  	[sflag:s0] =	ssyncadd.s32 @!p0 s1  }
0x89: {  	[bflag:$0x3] =	sbarrier.arrive $0xFFFF  }
0x8a: {  	_ =	shalt  }

</sc_bundles>
